<compile_context>
chip_gen: v7x
topology: tpu7x:2x2x1
jax: 0.10.2.dev20260603
libtpu: 0.0.44.dev20260713+nightly
codegen_flags: <defaults>
</compile_context>

<pallas_src>
import jax
import jax.numpy as jnp
from jax import lax
from jax.experimental import pallas as pl
from jax.experimental.pallas import tpu as pltpu
from jax.experimental.pallas import tpu_sc as plsc

B, T, C = 4, 4096, 2048
E = 16
TOP_K = 2
BM = 1024
N_TEC = 32
TPT = (B * T) // N_TEC


def _logits_block(x_ref, w_ref, out_ref):
    out_ref[...] = jnp.dot(
        x_ref[...], w_ref[...], preferred_element_type=jnp.float32)


@pl.kernel(
    out_type=[
        jax.ShapeDtypeStruct((B * T, E), jnp.float32),
        jax.ShapeDtypeStruct((B * T, E), jnp.int32),
    ],
    mesh=plsc.VectorSubcoreMesh(core_axis_name="c", subcore_axis_name="s"),
    scratch_types=[
        pltpu.VMEM((TPT, E), jnp.float32),
        pltpu.VMEM((TPT, E), jnp.float32),
        pltpu.VMEM((TPT, E), jnp.int32),
        pltpu.SemaphoreType.DMA,
        pltpu.SemaphoreType.DMA,
        pltpu.SemaphoreType.DMA,
    ],
    compiler_params=pltpu.CompilerParams(
        needs_layout_passes=False, use_tc_tiling_on_sc=False),
)
def _sc_router(logits_hbm, out_hbm, idx_hbm, lg_v, out_v, idx_v,
               sem_in, sem_out, sem_idx):
    c = lax.axis_index("c")
    s = lax.axis_index("s")
    base = (c * 16 + s) * TPT
    cp_in = pltpu.make_async_copy(
        logits_hbm.at[pl.ds(base, TPT), :], lg_v, sem_in)
    cp_in.start()
    cp_in.wait()

    def body(t, carry):
        v = lg_v[t, :]
        iota = lax.iota(jnp.int32, 16)
        m1 = jnp.max(v)
        i1 = jnp.min(jnp.where(v == m1, iota, E))
        masked = jnp.where(iota == i1, -jnp.inf, v)
        m2 = jnp.max(masked)
        i2 = jnp.min(jnp.where(masked == m2, iota, E))
        keep = (iota == i1) | (iota == i2)
        p = jnp.where(keep, jnp.exp(v - m1), 0.0)
        out_v[t, :] = p / jnp.sum(p)
        idx_v[t, :] = jnp.where(iota == 0, i1, i2)
        return carry

    lax.fori_loop(0, TPT, body, 0)

    cp_out = pltpu.make_async_copy(
        out_v, out_hbm.at[pl.ds(base, TPT), :], sem_out)
    cp_out.start()
    cp_idx = pltpu.make_async_copy(
        idx_v, idx_hbm.at[pl.ds(base, TPT), :], sem_idx)
    cp_idx.start()
    cp_out.wait()
    cp_idx.wait()


def kernel(x, W_route, W_noise):
    del W_noise
    xf = x.reshape(B * T, C)
    wT = W_route.T
    grid = (B * T // BM,)
    logits = pl.pallas_call(
        _logits_block,
        grid=grid,
        in_specs=[
            pl.BlockSpec((BM, C), lambda i: (i, 0)),
            pl.BlockSpec((C, E), lambda i: (0, 0)),
        ],
        out_specs=pl.BlockSpec((BM, E), lambda i: (i, 0)),
        out_shape=jax.ShapeDtypeStruct((B * T, E), jnp.float32),
        compiler_params=pltpu.CompilerParams(
            dimension_semantics=("parallel",),
        ),
    )(xf, wT)
    router_full, idx_wide = _sc_router(logits)
    router = router_full.reshape(B, T, E)
    indices = idx_wide[:, :TOP_K].reshape(B, T, TOP_K)
    return router, indices

# --- scband reference (transcript-rebuilt; emitter-appended) ---
"""Pipeline reference for scband-noisy-top-krouter-24859270709998 (READ-ONLY COPY).

The authoritative reference and input builder live on the scoring server;
editing this copy changes nothing except your own understanding.
"""

import jax, jax.numpy as jnp
import numpy as np

B, T, C = 4, 4096, 2048
E = 16
TOP_K = 2


def setup_inputs(seed: int = 0) -> dict:
    key = jax.random.key(seed)
    k1, k2, k3 = jax.random.split(key, 3)
    x = jax.random.normal(k1, (B, T, C), dtype=jnp.float32)
    # Learned parameters (nn.Linear weights, shape [out, in]); the torch code
    # zero-inits them which is degenerate, so we use small random weights to
    # make the routing nontrivial.
    W_route = jax.random.normal(k2, (E, C), dtype=jnp.float32) * 0.02
    W_noise = jax.random.normal(k3, (E, C), dtype=jnp.float32) * 0.02
    return {"x": x, "W_route": W_route, "W_noise": W_noise}


def reference(x, W_route, W_noise):
    # Deterministic eval-mode path of NoisyTopKRouter.forward (self.training=False):
    # logits -> top-k -> scatter into -inf -> softmax.
    logits = jnp.einsum('btc,ec->bte', x, W_route)  # (B, T, E)
    top_k_logits, indices = jax.lax.top_k(logits, TOP_K)  # (B, T, K)
    # scatter(-1, indices, top_k_logits) onto a full_like(-inf) tensor is
    # equivalent to masking logits at the top-k positions.
    mask = jax.nn.one_hot(indices, E, dtype=jnp.bool_).any(axis=-2)  # (B, T, E)
    neg = jnp.full_like(logits, -1e9)  # finite stand-in for -inf (same softmax result)
    sparse_logits = jnp.where(mask, logits, neg)
    router_output = jax.nn.softmax(sparse_logits, axis=-1)
    return router_output, indices

if __name__ == "__main__":
    import jax
    _d = setup_inputs()
    print(jax.jit(kernel)(*tuple(_d.values())))

</pallas_src>

<mosaic_0001>
#map = affine_map<(d0, d1) -> (0, 0)>
module attributes {stable_mosaic.version = 14 : i64} {
  func.func @_sc_router(%arg0: i32, %arg1: i32, %arg2: memref<16384x16xf32, #tpu.memory_space<hbm>>, %arg3: memref<16384x16xf32, #tpu.memory_space<hbm>>, %arg4: memref<16384x16xi32, #tpu.memory_space<hbm>>, %arg5: memref<512x16xf32, #tpu.memory_space<vmem>>, %arg6: memref<512x16xf32, #tpu.memory_space<vmem>>, %arg7: memref<512x16xi32, #tpu.memory_space<vmem>>, %arg8: memref<!tpu.dma_semaphore, #tpu.memory_space<semaphore_mem>>, %arg9: memref<!tpu.dma_semaphore, #tpu.memory_space<semaphore_mem>>, %arg10: memref<!tpu.dma_semaphore, #tpu.memory_space<semaphore_mem>>) attributes {dimension_semantics = [#tpu.dimension_semantics<core_parallel>, #tpu.dimension_semantics<subcore_parallel>], iteration_bounds = array<i64: 2, 16>, scalar_prefetch = 0 : i64, scratch_operands = 6 : i64, tpu.core_type = #tpu.core_type<sc_vector_subcore>, window_params = [{transform_indices = #map}, {transform_indices = #map}, {transform_indices = #map}]} {
    %mul3A = arith.constant 16 : i32
    %mul3A_0 = arith.muli %arg0, %mul3A : i32
    %add3A = arith.addi %mul3A_0, %arg1 : i32
    %mul3A_1 = arith.constant 512 : i32
    %mul3A_2 = arith.muli %add3A, %mul3A_1 : i32
    %dma_start3A = arith.constant 0 : i32
    %dma_start3A_3 = tpu.memref_slice %arg2[%mul3A_2, %dma_start3A] : memref<16384x16xf32, #tpu.memory_space<hbm>> -> memref<512x16xf32, #tpu.memory_space<hbm>>
    %dma_start3A_4 = arith.constant 0 : i32
    %dma_start3A_5 = tpu.memref_slice %arg2[%mul3A_2, %dma_start3A_4] : memref<16384x16xf32, #tpu.memory_space<hbm>> -> memref<512x16xf32, #tpu.memory_space<hbm>>
    tpu.enqueue_dma source(%dma_start3A_5 : memref<512x16xf32, #tpu.memory_space<hbm>>) target(%arg5 : memref<512x16xf32, #tpu.memory_space<vmem>>) target_semaphore(%arg8 : memref<!tpu.dma_semaphore, #tpu.memory_space<semaphore_mem>>)
    %dma_wait3A = arith.constant 0 : i32
    %dma_wait3A_6 = tpu.memref_slice %arg2[%mul3A_2, %dma_wait3A] : memref<16384x16xf32, #tpu.memory_space<hbm>> -> memref<512x16xf32, #tpu.memory_space<hbm>>
    %dma_wait3A_7 = arith.constant 0 : i32
    %dma_wait3A_8 = tpu.memref_slice %arg2[%mul3A_2, %dma_wait3A_7] : memref<16384x16xf32, #tpu.memory_space<hbm>> -> memref<512x16xf32, #tpu.memory_space<hbm>>
    tpu.wait_dma2 semaphore(%arg8 : memref<!tpu.dma_semaphore, #tpu.memory_space<semaphore_mem>>) src(%dma_wait3A_8 : memref<512x16xf32, #tpu.memory_space<hbm>>) dst(%arg5 : memref<512x16xf32, #tpu.memory_space<vmem>>)
    %scan3A = arith.constant 0 : i32
    %scan3A_9 = arith.constant 0 : i32
    %scan3A_10 = arith.constant 512 : i32
    %scan3A_11 = arith.addi %scan3A_9, %scan3A_10 : i32
    %scan3A_12 = arith.constant 1 : i32
    scf.for %scan3A_30 = %scan3A_9 to %scan3A_11 step %scan3A_12  : i32 {
      %get3A = arith.index_cast %scan3A_30 : i32 to index
      %get3A_31 = arith.constant 0 : index
      %get3A_32 = tpu.vector_load %arg5[%get3A, %get3A_31] {strides = array<i32>} : memref<512x16xf32, #tpu.memory_space<vmem>>, vector<16xf32>,
      %iota3A = tpu.iota {dimensions = array<i32: 0>} : vector<16xi32>
      %reduce_max3A = arith.constant true
      %reduce_max3A_33 = vector.broadcast %reduce_max3A : i1 to vector<16xi1>
      %reduce_max3A_34 = tpu.scan <max>, %get3A_32 masked %reduce_max3A_33 : vector<16xf32>, vector<16xi1> -> vector<16xf32>
      %reduce_max3A_35 = vector.extract %reduce_max3A_34[15] : f32 from vector<16xf32>
      %eq3A = vector.broadcast %reduce_max3A_35 : f32 to vector<16xf32>
      %eq3A_36 = arith.cmpf oeq, %get3A_32, %eq3A : vector<16xf32>
      %jit3A = arith.constant 16 : i32
      %broadcast_in_dim3A = vector.broadcast %jit3A : i32 to vector<16xi32>
      %select_n3A = arith.select %eq3A_36, %iota3A, %broadcast_in_dim3A : vector<16xi1>, vector<16xi32>
      %reduce_min3A = arith.constant true
      %reduce_min3A_37 = vector.broadcast %reduce_min3A : i1 to vector<16xi1>
      %reduce_min3A_38 = arith.constant -2147483648 : i32
      %reduce_min3A_39 = vector.broadcast %reduce_min3A_38 : i32 to vector<16xi32>
      %reduce_min3A_40 = arith.xori %select_n3A, %reduce_min3A_39 : vector<16xi32>
      %reduce_min3A_41 = tpu.scan <min>, %reduce_min3A_40 masked %reduce_min3A_37 : vector<16xi32>, vector<16xi1> -> vector<16xi32>
      %reduce_min3A_42 = arith.xori %reduce_min3A_41, %reduce_min3A_39 : vector<16xi32>
      %reduce_min3A_43 = vector.extract %reduce_min3A_42[15] : i32 from vector<16xi32>
      %eq3A_44 = vector.broadcast %reduce_min3A_43 : i32 to vector<16xi32>
      %eq3A_45 = arith.cmpi eq, %iota3A, %eq3A_44 : vector<16xi32>
      %jit3A_46 = arith.constant 0xFF800000 : f32
      %broadcast_in_dim3A_47 = vector.broadcast %jit3A_46 : f32 to vector<16xf32>
      %select_n3A_48 = arith.select %eq3A_45, %broadcast_in_dim3A_47, %get3A_32 : vector<16xi1>, vector<16xf32>
      %reduce_max3A_49 = arith.constant true
      %reduce_max3A_50 = vector.broadcast %reduce_max3A_49 : i1 to vector<16xi1>
      %reduce_max3A_51 = tpu.scan <max>, %select_n3A_48 masked %reduce_max3A_50 : vector<16xf32>, vector<16xi1> -> vector<16xf32>
      %reduce_max3A_52 = vector.extract %reduce_max3A_51[15] : f32 from vector<16xf32>
      %eq3A_53 = vector.broadcast %reduce_max3A_52 : f32 to vector<16xf32>
      %eq3A_54 = arith.cmpf oeq, %select_n3A_48, %eq3A_53 : vector<16xf32>
      %jit3A_55 = arith.constant 16 : i32
      %broadcast_in_dim3A_56 = vector.broadcast %jit3A_55 : i32 to vector<16xi32>
      %select_n3A_57 = arith.select %eq3A_54, %iota3A, %broadcast_in_dim3A_56 : vector<16xi1>, vector<16xi32>
      %reduce_min3A_58 = arith.constant true
      %reduce_min3A_59 = vector.broadcast %reduce_min3A_58 : i1 to vector<16xi1>
      %reduce_min3A_60 = arith.constant -2147483648 : i32
      %reduce_min3A_61 = vector.broadcast %reduce_min3A_60 : i32 to vector<16xi32>
      %reduce_min3A_62 = arith.xori %select_n3A_57, %reduce_min3A_61 : vector<16xi32>
      %reduce_min3A_63 = tpu.scan <min>, %reduce_min3A_62 masked %reduce_min3A_59 : vector<16xi32>, vector<16xi1> -> vector<16xi32>
      %reduce_min3A_64 = arith.xori %reduce_min3A_63, %reduce_min3A_61 : vector<16xi32>
      %reduce_min3A_65 = vector.extract %reduce_min3A_64[15] : i32 from vector<16xi32>
      %eq3A_66 = vector.broadcast %reduce_min3A_43 : i32 to vector<16xi32>
      %eq3A_67 = arith.cmpi eq, %iota3A, %eq3A_66 : vector<16xi32>
      %eq3A_68 = vector.broadcast %reduce_min3A_65 : i32 to vector<16xi32>
      %eq3A_69 = arith.cmpi eq, %iota3A, %eq3A_68 : vector<16xi32>
      %or3A = arith.ori %eq3A_67, %eq3A_69 : vector<16xi1>
      %sub3A = vector.broadcast %reduce_max3A_35 : f32 to vector<16xf32>
      %sub3A_70 = arith.subf %get3A_32, %sub3A : vector<16xf32>
      %exp3A = math.exp %sub3A_70 : vector<16xf32>
      %jit3A_71 = arith.constant 0.000000e+00 : f32
      %broadcast_in_dim3A_72 = vector.broadcast %jit3A_71 : f32 to vector<16xf32>
      %select_n3A_73 = arith.select %or3A, %exp3A, %broadcast_in_dim3A_72 : vector<16xi1>, vector<16xf32>
      %reduce_sum3A = arith.constant true
      %reduce_sum3A_74 = vector.broadcast %reduce_sum3A : i1 to vector<16xi1>
      %reduce_sum3A_75 = tpu.scan <sum>, %select_n3A_73 masked %reduce_sum3A_74 : vector<16xf32>, vector<16xi1> -> vector<16xf32>
      %reduce_sum3A_76 = vector.extract %reduce_sum3A_75[15] : f32 from vector<16xf32>
      %div3A = vector.broadcast %reduce_sum3A_76 : f32 to vector<16xf32>
      %div3A_77 = arith.divf %select_n3A_73, %div3A : vector<16xf32>
      %swap3A = arith.index_cast %scan3A_30 : i32 to index
      %swap3A_78 = arith.constant 0 : index
      %swap3A_79 = tpu.vector_load %arg6[%swap3A, %swap3A_78] {strides = array<i32>} : memref<512x16xf32, #tpu.memory_space<vmem>>, vector<16xf32>,
      tpu.vector_store %arg6[%swap3A, %swap3A_78], %div3A_77 {strides = array<i32>} : memref<512x16xf32, #tpu.memory_space<vmem>>, vector<16xf32>,
      %eq3A_80 = arith.constant 0 : i32
      %eq3A_81 = vector.broadcast %eq3A_80 : i32 to vector<16xi32>
      %eq3A_82 = arith.cmpi eq, %iota3A, %eq3A_81 : vector<16xi32>
      %broadcast_in_dim3A_83 = vector.broadcast %reduce_min3A_43 : i32 to vector<16xi32>
      %broadcast_in_dim3A_84 = vector.broadcast %reduce_min3A_65 : i32 to vector<16xi32>
      %select_n3A_85 = arith.select %eq3A_82, %broadcast_in_dim3A_83, %broadcast_in_dim3A_84 : vector<16xi1>, vector<16xi32>
      %swap3A_86 = arith.index_cast %scan3A_30 : i32 to index
      %swap3A_87 = arith.constant 0 : index
      %swap3A_88 = tpu.vector_load %arg7[%swap3A_86, %swap3A_87] {strides = array<i32>} : memref<512x16xi32, #tpu.memory_space<vmem>>, vector<16xi32>,
      tpu.vector_store %arg7[%swap3A_86, %swap3A_87], %select_n3A_85 {strides = array<i32>} : memref<512x16xi32, #tpu.memory_space<vmem>>, vector<16xi32>,
    }
    %scan3A_13 = arith.constant 512 : i32
    %dma_start3A_14 = arith.constant 0 : i32
    %dma_start3A_15 = tpu.memref_slice %arg3[%mul3A_2, %dma_start3A_14] : memref<16384x16xf32, #tpu.memory_space<hbm>> -> memref<512x16xf32, #tpu.memory_space<hbm>>
    %dma_start3A_16 = arith.constant 0 : i32
    %dma_start3A_17 = tpu.memref_slice %arg3[%mul3A_2, %dma_start3A_16] : memref<16384x16xf32, #tpu.memory_space<hbm>> -> memref<512x16xf32, #tpu.memory_space<hbm>>
    tpu.enqueue_dma source(%arg6 : memref<512x16xf32, #tpu.memory_space<vmem>>) target(%dma_start3A_17 : memref<512x16xf32, #tpu.memory_space<hbm>>) target_semaphore(%arg9 : memref<!tpu.dma_semaphore, #tpu.memory_space<semaphore_mem>>)
    %dma_start3A_18 = arith.constant 0 : i32
    %dma_start3A_19 = tpu.memref_slice %arg4[%mul3A_2, %dma_start3A_18] : memref<16384x16xi32, #tpu.memory_space<hbm>> -> memref<512x16xi32, #tpu.memory_space<hbm>>
    %dma_start3A_20 = arith.constant 0 : i32
    %dma_start3A_21 = tpu.memref_slice %arg4[%mul3A_2, %dma_start3A_20] : memref<16384x16xi32, #tpu.memory_space<hbm>> -> memref<512x16xi32, #tpu.memory_space<hbm>>
    tpu.enqueue_dma source(%arg7 : memref<512x16xi32, #tpu.memory_space<vmem>>) target(%dma_start3A_21 : memref<512x16xi32, #tpu.memory_space<hbm>>) target_semaphore(%arg10 : memref<!tpu.dma_semaphore, #tpu.memory_space<semaphore_mem>>)
    %dma_wait3A_22 = arith.constant 0 : i32
    %dma_wait3A_23 = tpu.memref_slice %arg3[%mul3A_2, %dma_wait3A_22] : memref<16384x16xf32, #tpu.memory_space<hbm>> -> memref<512x16xf32, #tpu.memory_space<hbm>>
    %dma_wait3A_24 = arith.constant 0 : i32
    %dma_wait3A_25 = tpu.memref_slice %arg3[%mul3A_2, %dma_wait3A_24] : memref<16384x16xf32, #tpu.memory_space<hbm>> -> memref<512x16xf32, #tpu.memory_space<hbm>>
    tpu.wait_dma2 semaphore(%arg9 : memref<!tpu.dma_semaphore, #tpu.memory_space<semaphore_mem>>) src(%arg6 : memref<512x16xf32, #tpu.memory_space<vmem>>) dst(%dma_wait3A_25 : memref<512x16xf32, #tpu.memory_space<hbm>>)
    %dma_wait3A_26 = arith.constant 0 : i32
    %dma_wait3A_27 = tpu.memref_slice %arg4[%mul3A_2, %dma_wait3A_26] : memref<16384x16xi32, #tpu.memory_space<hbm>> -> memref<512x16xi32, #tpu.memory_space<hbm>>
    %dma_wait3A_28 = arith.constant 0 : i32
    %dma_wait3A_29 = tpu.memref_slice %arg4[%mul3A_2, %dma_wait3A_28] : memref<16384x16xi32, #tpu.memory_space<hbm>> -> memref<512x16xi32, #tpu.memory_space<hbm>>
    tpu.wait_dma2 semaphore(%arg10 : memref<!tpu.dma_semaphore, #tpu.memory_space<semaphore_mem>>) src(%arg7 : memref<512x16xi32, #tpu.memory_space<vmem>>) dst(%dma_wait3A_29 : memref<512x16xi32, #tpu.memory_space<hbm>>)
    return
  }
}

module attributes {stable_mosaic.version = 14 : i64} {
  func.func @_logits_block(%arg0: i32, %arg1: memref<1024x2048xf32, #tpu.memory_space<vmem>>, %arg2: memref<2048x16xf32, #tpu.memory_space<vmem>>, %arg3: memref<1024x16xf32, #tpu.memory_space<vmem>>) attributes {dimension_semantics = [#tpu.dimension_semantics<parallel>], iteration_bounds = array<i64: 16>, scalar_prefetch = 0 : i64, scratch_operands = 0 : i64, tpu.core_type = #tpu.core_type<tc>, window_params = [{transform_indices = @transform_0, window_bounds = array<i64: 1024, 2048>}, {pipeline_mode = #tpu.pipeline_mode<synchronous>, transform_indices = @transform_1, window_bounds = array<i64: 2048, 16>}, {transform_indices = @transform_2, window_bounds = array<i64: 1024, 16>}]} {
    %get3A = arith.constant 0 : index
    %get3A_0 = arith.constant 0 : index
    %get3A_1 = vector.load %arg1[%get3A, %get3A_0] : memref<1024x2048xf32, #tpu.memory_space<vmem>>, vector<1024x2048xf32>
    %get3A_2 = arith.constant 0 : index
    %get3A_3 = arith.constant 0 : index
    %get3A_4 = vector.load %arg2[%get3A_2, %get3A_3] : memref<2048x16xf32, #tpu.memory_space<vmem>>, vector<2048x16xf32>
    %dot_general3A = arith.constant dense<0.000000e+00> : vector<1024x16xf32>
    %dot_general3A_5 = tpu.matmul %get3A_1, %get3A_4, %dot_general3A {dimension_numbers = #tpu.dot_dimension_numbers<[1], [0], [0], [1], [0, 0, 1, 1], [], []>, transpose_lhs_hint = false} : vector<1024x2048xf32>, vector<2048x16xf32>, vector<1024x16xf32> -> vector<1024x16xf32>
    %swap3A = arith.constant 0 : index
    %swap3A_6 = arith.constant 0 : index
    %swap3A_7 = vector.load %arg3[%swap3A, %swap3A_6] : memref<1024x16xf32, #tpu.memory_space<vmem>>, vector<1024x16xf32>
    tpu.vector_store %arg3[%swap3A, %swap3A_6], %dot_general3A_5 {strides = array<i32>} : memref<1024x16xf32, #tpu.memory_space<vmem>>, vector<1024x16xf32>,
    return
  }
  func.func @transform_0(%arg0: i32) -> (i32, i32) {
    %c0_i32 = arith.constant 0 : i32
    %c0_i32_0 = arith.constant 0 : i32
    return %arg0, %c0_i32 : i32, i32
  }
  func.func @transform_1(%arg0: i32) -> (i32, i32) {
    %c0_i32 = arith.constant 0 : i32
    %c0_i32_0 = arith.constant 0 : i32
    %c0_i32_1 = arith.constant 0 : i32
    return %c0_i32, %c0_i32_0 : i32, i32
  }
  func.func @transform_2(%arg0: i32) -> (i32, i32) {
    %c0_i32 = arith.constant 0 : i32
    %c0_i32_0 = arith.constant 0 : i32
    return %arg0, %c0_i32 : i32, i32
  }
}

</mosaic_0001>

<sc_bundles>
// kernel: kernel.4.cloned.1.call-start
scs
__scs_entry_jumppad:
0x0: {  	(pc) =	sbr.rel $0x88, $3  }
0x1: {  	(tag) =	ssettag $0x0;
	lr =	simm.s32 $0x1  }
0x2: {  	[smem:$0x3F9F] =	sst lr;
	_ =	strace $0xD0000000  }
0x3: {  	_ = 	snop  }
0x4: {  	_ = 	snop  }
0x5: {  	_ = 	snop  }
0x6: {  	_ = 	snop  }
0x7: {  	_ = 	snop  }
__scs_overlays_trampoline_lowered:
0x8: {  	[smem:$0x3FAE] =	sst s0  }
0x9: {  	[smem:$0x3FAF] =	sst s1  }
0xa: {  	[smem:$0x3FB0] =	sst s2  }
0xb: {  	[smem:$0x3FB1] =	sst s3  }
0xc: {  	[smem:$0x3FB2] =	sst s4  }
0xd: {  	[smem:$0x3FB3] =	sst s5  }
0xe: {  	[smem:$0x3FB4] =	sst s6  }
0xf: {  	[smem:$0x3FB5] =	sst s7  }
0x10: {  	[smem:$0x3FB6] =	sst s8  }
0x11: {  	[smem:$0x3FB7] =	sst s9;
	s0 =	simm.s32 @!p0 $0x0  }
0x12: {  	s1 =	sld [smem:$0x3F9D];
	s0 =	simm.s32 @p0 $0x1  }
0x13: {  	[smem:$0x3FB8] =	sst s0;
	s0 =	simm.s32 @!p1 $0x0  }
0x14: {  	s2 =	sld [smem:$0x3F9C];
	s0 =	simm.s32 @p1 $0x1  }
0x15: {  	[smem:$0x3FB9] =	sst s0;
	s0 =	simm.s32 @!p2 $0x0  }
0x16: {  	s3 =	sld [smem:$0x3FDB];
	s0 =	simm.s32 @p2 $0x1  }
0x17: {  	s4 =	simm.s32 $0x1BF5;
	[smem:$0x3FBB] =	sst s0  }
0x18: {  	s0 =	sld [smem:$0x3F9E];
	_ =	swait.ge [sflag:s4], $0x0  }
0x19: {  	s7 =	sld [smem:$0x3F9F]  }
0x1a: {  	s8 =	sadd.s32 $0xFFFFE003, lr  }
0x1b: {  	s9 =	sadd.s32 $0xFFFFFEF7, lr;
	s5 =	simm.s32 $0xFFFFFFFF;
	p2 =	slt.u32 s8, $0xFFFFF086  }
0x1c: {  	p1 =	slt.u32 s9, $0xF7A;
	s5 =	simm.s32 @!p2 $0x0  }
0x1d: {  	s5 =	simm.s32 @p1 $0x1;
	p0 =	seq.s32 s7, s2  }
0x1e: {  	s7 =	smul.u32 @!p0 $0xF7A, s2;
	p2 =	seq.s32 @!p0 s5, $0x0  }
0x1f: {  	s9 =	smul.u32 $0xF7A, s1;
	s8 =	simm.s32 @!p0 $0x1BF5;
	p2 =	por !p2, p0  }
0x20: {  	[sflag:s8] =	ssyncset.s32 @!p0 $0xFFFFF086;
	s6 =	sadd.s32 @!p0 s3, s7;
	s7 =	simm.s32 @!p0 $0x108  }
0x21: {  	s3 =	sadd.s32 s3, s9;
	s6 =	sadd.s32 @!p0 $0x88, s6;
	s7 =	simm.s32 @p2 $0x1082  }
0x22: {  	[simem:s7], [sflag:s8] =	dma.local @!p0 [hbm:s6], $0xF7A  }
0x23: {  	s9 =	sor.u32 $0xD0000000, s2;
	s6 =	simm.s32 $0x108;
	_ =	swait.ge @!p0 [sflag:s8], $0x0  }
0x24: {  	s3 =	sadd.s32 $0x88, s3;
	s6 =	simm.s32 @!p1 $0x1082;
	[sflag:s4] =	ssyncset.s32 $0xFFFFF086  }
0x25: {  	[simem:s6], [sflag:s4] =	dma.local [hbm:s3], $0xF7A  }
0x26: {  	[smem:$0x3F9F] =	sst s1;
	(tag) =	ssettag s2;
	_ =	strace s9  }
0x27: {  	s1 =	sld [smem:$0x3FAF]  }
0x28: {  	s2 =	sld [smem:$0x3FB0]  }
0x29: {  	s4 =	sld [smem:$0x3FB2]  }
0x2a: {  	p0 =	seq.s32 s5, $0x0;
	s5 =	sld [smem:$0x3FB3]  }
0x2b: {  	s6 =	sld [smem:$0x3FB4]  }
0x2c: {  	s7 =	sld [smem:$0x3FB5]  }
0x2d: {  	s3 =	simm.s32 $0x108;
	s8 =	sld [smem:$0x3FB6]  }
0x2e: {  	s3 =	simm.s32 @!p0 $0x1082;
	s9 =	sld [smem:$0x3FB7]  }
0x2f: {  	lr =	sadd.s32 s0, s3;
	s0 =	sld [smem:$0x3FAE]  }
0x30: {  	s3 =	sld [smem:$0x3FB1]  }
0x31: {  	[smem:$0x3FBA] =	sst s10  }
0x32: {  	s10 =	sld [smem:$0x3FB8];
	_ =	sdelay $0x3  }
0x33: {  	p0 =	seq.s32 s10, $0x1;
	s10 =	sld [smem:$0x3FBA];
	_ =	sdelay $0x3  }
0x34: {  	[smem:$0x3FBA] =	sst s10  }
0x35: {  	s10 =	sld [smem:$0x3FB9];
	_ =	sdelay $0x3  }
0x36: {  	p1 =	seq.s32 s10, $0x1;
	s10 =	sld [smem:$0x3FBA];
	_ =	sdelay $0x3  }
0x37: {  	[smem:$0x3FBA] =	sst s10  }
0x38: {  	s10 =	sld [smem:$0x3FBB]  }
0x39: {  	_ = 	snop;
	(pc) =	sbr.ind lr, $3  }
0x3a: {  	_ = 	snop  }
0x3b: {  	_ = 	snop  }
0x3c: {  	p2 =	seq.s32 s10, $0x1;
	s10 =	sld [smem:$0x3FBA]  }
0x3d: {  	_ =	shalt  }
0x3e: {  	_ =	shalt  }
0x3f: {  	_ =	shalt  }
0x40: {  	_ =	shalt  }
0x41: {  	_ =	shalt  }
0x42: {  	_ =	shalt  }
0x43: {  	_ =	shalt  }
0x44: {  	_ =	shalt  }
0x45: {  	_ =	shalt  }
0x46: {  	_ =	shalt  }
0x47: {  	_ =	shalt  }
0x48: {  	_ =	shalt  }
0x49: {  	_ =	shalt  }
0x4a: {  	_ =	shalt  }
0x4b: {  	_ =	shalt  }
0x4c: {  	_ =	shalt  }
0x4d: {  	_ =	shalt  }
0x4e: {  	_ =	shalt  }
0x4f: {  	_ =	shalt  }
0x50: {  	_ =	shalt  }
0x51: {  	_ =	shalt  }
0x52: {  	_ =	shalt  }
0x53: {  	_ =	shalt  }
0x54: {  	_ =	shalt  }
0x55: {  	_ =	shalt  }
0x56: {  	_ =	shalt  }
0x57: {  	_ =	shalt  }
0x58: {  	_ =	shalt  }
0x59: {  	_ =	shalt  }
0x5a: {  	_ =	shalt  }
0x5b: {  	_ =	shalt  }
0x5c: {  	_ =	shalt  }
0x5d: {  	_ =	shalt  }
0x5e: {  	_ =	shalt  }
0x5f: {  	_ =	shalt  }
0x60: {  	_ =	shalt  }
0x61: {  	_ =	shalt  }
0x62: {  	_ =	shalt  }
0x63: {  	_ =	shalt  }
0x64: {  	_ =	shalt  }
0x65: {  	_ =	shalt  }
0x66: {  	_ =	shalt  }
0x67: {  	_ =	shalt  }
0x68: {  	_ =	shalt  }
0x69: {  	_ =	shalt  }
0x6a: {  	_ =	shalt  }
0x6b: {  	_ =	shalt  }
0x6c: {  	_ =	shalt  }
0x6d: {  	_ =	shalt  }
0x6e: {  	_ =	shalt  }
0x6f: {  	_ =	shalt  }
0x70: {  	_ =	shalt  }
0x71: {  	_ =	shalt  }
0x72: {  	_ =	shalt  }
0x73: {  	_ =	shalt  }
0x74: {  	_ =	shalt  }
0x75: {  	_ =	shalt  }
0x76: {  	_ =	shalt  }
0x77: {  	_ =	shalt  }
0x78: {  	_ =	shalt  }
0x79: {  	_ =	shalt  }
0x7a: {  	_ =	shalt  }
0x7b: {  	_ =	shalt  }
0x7c: {  	_ =	shalt  }
0x7d: {  	_ =	shalt  }
0x7e: {  	_ =	shalt  }
0x7f: {  	_ =	shalt  }
0x80: {  	_ =	shalt  }
0x81: {  	_ =	shalt  }
0x82: {  	_ =	shalt  }
0x83: {  	_ =	shalt  }
0x84: {  	_ =	shalt  }
0x85: {  	_ =	shalt  }
0x86: {  	_ =	shalt  }
0x87: {  	_ =	shalt  }
.Lfunc_end0:
.L_simem_size_0:
called_computation_lowered:
.L_overlay_start_0:
0x88: {  	s2 =	sld [smem:$0x3FD9]  }
0x89: {  	s3 =	sld [smem:$0x3FFE];
	_ =	sdelay $0x1  }
0x8a: {  	s1 =	srdreg.scid  }
0x8b: {  	s0 =	sand.u32 $0x1, s1  }
0x8c: {  	s14 =	sshll.u32 s0, $0xA;
	s2 =	sadd.s32 s3, s2  }
0x8d: {  	s2 =	sadd.s32 s2, s14  }
0x8e: {  	[smem:$0x3FC6] =	sst s2  }
0x8f: {  	_ = 	snop  }
0x90: {  	s2 =	sld [smem:$0x3FD0];
	_ =	sdelay $0x2  }
0x91: {  	s15 =	simm.s32 $0xA;
	s4 =	simm.s32 $0x10  }
0x92: {  	[smem:s4], [sflag:s15] =	dma.local [hbm:s2], $0x1  }
0x93: {  	_ =	swait.eq [sflag:s15], $0x1  }
0x94: {  	[sflag:s15] =	ssyncset.done $0x0  }
0x95: {  	[sflag:s15] =	ssyncadd.s32 $0xFFFFFFFF  }
0x96: {  	s16 =	sld [smem:$0x10];
	(tm) =	ssettm $0x1  }
0x97: {  	s17 =	sld [smem:$0x3FFB];
	_ =	sdelay $0x3  }
0x98: {  	_ =	strace s17  }
0x99: {  	s3 =	sld [smem:$0x3FFC];
	_ =	sdelay $0x3  }
0x9a: {  	_ =	strace s3  }
0x9b: {  	s3 =	sld [smem:$0x3FFD];
	_ =	sdelay $0x3  }
0x9c: {  	_ =	strace s3  }
0x9d: {  	_ =	strace $0x8FFFFFFF  }
0x9e: {  	s18 =	sld [smem:$0x3FDB];
	_ =	sdelay $0x1  }
0x9f: {  	s19 =	simm.s32 $_scs_section_size  }
0xa0: {  	s5 =	simm.s32 $_size__tile_overlayer_lowered;
	s6 =	simm.s32 $_tile_overlayer_lowered  }
0xa1: {  	s22 =	simm.s32 $0x1BFF;
	s21 =	sshll.u32 s6, $0x1;
	s3 =	sadd.s32 s19, s18  }
0xa2: {  	s7 =	simm.s32 $0x0;
	s20 =	sshll.u32 s5, $0x1;
	s5 =	sadd.s32 s21, s3  }
0xa3: {  	[timem:s7], [sflag:s22] =	dma.local [hbm:s5], s20  }
0xa4: {  	_ =	swait.ge [sflag:s22], s20  }
0xa5: {  	s4 =	ssub.s32 $0x0, s20;
	[sflag:s22] =	ssyncset.done $0x0  }
0xa6: {  	[sflag:s22] =	ssyncadd.s32 s4;
	_ =	sdelay $0x1  }
0xa7: {  	s23 =	simm.s32 $0x1B8B  }
0xa8: {  	_ =	swait.ge [sflag:s23], $0x1  }
0xa9: {  	[sflag:s23] =	ssyncset.done $0x0  }
0xaa: {  	s25 =	simm.s32 $0x1B8E;
	s24 =	sld [smem:$0x3FFE];
	[sflag:s23] =	ssyncadd.s32 $0xFFFFFFFF  }
0xab: {  	s26 =	simm.s32 $execute0_lowered;
	[smem:$0x3FD2] =	sst s25  }
0xac: {  	s5 =	sshll.u32 s26, $0x1;
	_ =	strace $0x80000046;
	[dreg:$0x1] =	wrdreg $0xFFFFFFFF  }
0xad: {  	s28 =	simm.s32 $_size_execute0_lowered;
	s3 =	sadd.s32 s3, s5;
	[dreg:$0x0] =	wrdreg $0x0  }
0xae: {  	s5 =	sshll.u32 s28, $0x1;
	[dreg:$0x2] =	wrdreg s3  }
0xaf: {  	[dreg:$0x3] =	wrdreg s5  }
0xb0: {  	[dreg:$0x4] =	wrdreg $0xC0  }
0xb1: {  	_ =	task [dreg:s7], $0x5FFFF  }
0xb2: {  	[dreg:$0x1] =	wrdreg $0xFFFFFFFF  }
0xb3: {  	[dreg:$0x0] =	wrdreg $0x60  }
0xb4: {  	[dreg:$0x2] =	wrdreg s16  }
0xb5: {  	[dreg:$0x3] =	wrdreg s24  }
0xb6: {  	[dreg:$0x4] =	wrdreg $0x9  }
0xb7: {  	_ =	task.clear_ibuf [dreg:s7], $0x5FFFF;
	_ =	strace $0x90000046  }
0xb8: {  	s29 =	simm.s32 $0x9;
	_ =	strace $0x80000048  }
0xb9: {  	_ =	swait.ge [sflag:s29], $0x1  }
0xba: {  	[sflag:s29] =	ssyncadd.s32 $0xFFFFFFFF  }
0xbb: {  	_ =	strace $0x90000048  }
0xbc: {  	_ =	sfence  }
0xbd: {  	s30 =	sld [smem:$0x0];
	_ =	sdelay $0x2  }
0xbe: {  	s31 =	sshll.u32 s1, $0xD;
	s1 =	sshrl.u32 s1, $0x2  }
0xbf: {  	s3 =	sand.u32 $0x4000, s31;
	s1 =	sadd.s32 s1, s30  }
0xc0: {  	s0 =	sor.u32 s3, s0;
	s1 =	sshll.u32 s1, $0x11  }
0xc1: {  	s0 =	sor.u32 s1, s0  }
0xc2: {  	s0 =	sadd.s32 $0x8F2B, s0  }
0xc3: {  	[sflag:s0] =	ssyncadd.remote.s32 $0x1  }
0xc4: {  	_ =	sfence.sel $0xFFFF  }
0xc5: {  	[dreg:$0x0] =	wrdreg $0xFFFFFFFF;
	(pc) =	sbr.abs _section_cstart, $3  }
0xc6: {  	[dreg:$0x1] =	wrdreg $0xFFFFFFFF  }
0xc7: {  	_ =	task.clear_ibuf [dreg:s7], $0x2FFFF;
	_ =	strace $0x9FFFFFFF  }
0xc8: {  	(tm) =	ssettm $0x7FFFFFFF  }
0xc9: {  	_ =	shalt  }
tec
execute0_lowered:
.L_overlay_start_1:
0x0: {  	(tag) =	ssettag $0x1  }
0x1: {  	s3 =	rddreg [dreg:$0x0]  }
0x2: {  	s4 =	rddreg [dreg:$0x1];
	s2 =	simm.s32 $0x0  }
0x3: {  	s5 =	srdreg.scid;
	s0 =	stileid.u32;
	s9 =	simm.s32 $0x4000  }
0x4: {  	s10 =	simm.s32 $0x2;
	s11 =	simm.s32 $0x3;
	s5 =	sand.u32 $0x1, s5  }
0x5: {  	s12 =	simm.s32 $0x0;
	s7 =	sshll.u32 s0, $0xA;
	s6 =	sshll.u32 s5, $0xE  }
0x6: {  	[smem:$0x7FF] =	sst s2;
	s5 =	ssub.s32 $0x2, s5;
	s6 =	sor.u32 s7, s6  }
0x7: {  	_ =	strace $0x80000047;
	s31 =	sshrl.u32 s5, $0x1;
	s8 =	sadd.s32 s6, s4  }
0x8: {  	v0 =	vlaneseq.u32;
	s7 =	ssub.s32 s5, s31;
	s3 =	sadd.s32 s3, s6;
	s4 =	sadd.s32 $0x8A00, s8  }
0x9: {  	vm0 =	vmmov $0x1;
	v1 =	vor.u32 $0x80000000, v0;
	s5 =	sadd.s32 $0xA00, s8;
	s6 =	smax.u32 s7, $0x1;
	s7 =	simm.s32 $0x1  }
.LBB2_1:
0xa: {  	[tilespmem:s2], [sflag:$0x1] =	stream.linear.gather [hbm4b:s3+s2], $0x2000, $0x38;
	[tilespmem:$0x6000] =	vst v63  }
0xb: {  	_ =	swait.ge [sflag:s7], $0x2000  }
0xc: {  	[sflag:s7] =	ssyncset.done $0x0  }
0xd: {  	s15 =	simm.s32 $0x0;
	[sflag:s7] =	ssyncadd.s32 $0xFFFFE000  }
0xe: {  	v2 =	vld [tilespmem:s15+$0x0];
	_ =	sdelay $0x4  }
0xf: {  	(xrf0) =	vmax.scan.msk.f32 $0xffff, v2;
	_ =	sdelay $0x2  }
0x10: {  	s13 =	simm.s32 $0x10  }
0x11: {  	v9 =	vld [tilespmem:s13+$0x0];
	_ =	sdelay $0x1  }
0x12: {  	v3, _, _ =	vpop (xrf0)  }
0x13: {  	v3 =	vbroadcast v3, $0xF;
	_ =	sdelay $0x1  }
0x14: {  	(xrf0) =	vmax.scan.msk.f32 $0xffff, v9;
	vm1 =	veq.f32 v2, v3  }
0x15: {  	v4 =	vnsel vm1, $0x80000010, v1  }
0x16: {  	(xrf0) =	vmin.scan.msk.u32 $0xffff, v4;
	_ =	sdelay $0x1  }
0x17: {  	s14 =	simm.s32 $0x20  }
0x18: {  	v6 =	vld [tilespmem:s14+$0x0]  }
0x19: {  	v4, _, _ =	vpop (xrf0)  }
0x1a: {  	v11 =	vbroadcast v4, $0xF  }
0x1b: {  	v5, _, _ =	vpop (xrf0)  }
0x1c: {  	vm1 =	veq.f32 v9, v11;
	(v2sf) =	vpush v5, $0xF  }
0x1d: {  	(xrf0) =	vmax.scan.msk.f32 $0xffff, v6;
	v4 =	vnsel vm1, $0x80000010, v1  }
0x1e: {  	(xrf0) =	vmin.scan.msk.u32 $0xffff, v4;
	_ =	sdelay $0x4  }
0x1f: {  	s16 =	simm.s32 $0x30;
	v4, _, _ =	vpop (xrf0)  }
0x20: {  	v15 =	vld [tilespmem:s16+$0x0];
	v5, _, _ =	vpop (xrf0)  }
0x21: {  	(v2sf) =	vpush v5, $0xF;
	_ =	sdelay $0x2  }
0x22: {  	v13 =	vbroadcast v4, $0xF  }
0x23: {  	(xrf0) =	vmax.scan.msk.f32 $0xffff, v15  }
0x24: {  	vm1 =	veq.f32 v6, v13  }
0x25: {  	v4 =	vnsel vm1, $0x80000010, v1;
	s17 =	spop (v2sf)  }
0x26: {  	(xrf0) =	vmin.scan.msk.u32 $0xffff, v4;
	s23 =	sxor.u32 $0x80000000, s17  }
0x27: {  	s17 =	simm.s32 $0x40;
	v4 =	vmov s23  }
0x28: {  	vm2 =	veq.s32 v4, v0;
	v4 =	vld [tilespmem:s17+$0x0]  }
0x29: {  	v5, _, _ =	vpop (xrf0)  }
0x2a: {  	v16 =	vbroadcast v5, $0xF;
	v7 =	vsel vm2, $0xFF800000, v2  }
0x2b: {  	(xrf0) =	vmax.scan.msk.f32 $0xffff, v7  }
0x2c: {  	vm1 =	veq.f32 v15, v16;
	v8, _, _ =	vpop (xrf0)  }
0x2d: {  	v5 =	vnsel vm1, $0x80000010, v1;
	(v2sf) =	vpush v8, $0xF;
	(xrf0) =	vmax.scan.msk.f32 $0xffff, v4  }
0x2e: {  	s18 =	spop (v2sf);
	(xrf0) =	vmin.scan.msk.u32 $0xffff, v5  }
0x2f: {  	s26 =	sxor.u32 $0x80000000, s18  }
0x30: {  	v8 =	vmov s26  }
0x31: {  	v5, _, _ =	vpop (xrf0)  }
0x32: {  	v10 =	vbroadcast v5, $0xF  }
0x33: {  	s18 =	simm.s32 $0x50;
	vm1 =	veq.s32 v8, v0;
	v8, _, _ =	vpop (xrf0)  }
0x34: {  	v5 =	vld [tilespmem:s18+$0x0];
	vm3 =	veq.f32 v7, v10;
	v7, _, _ =	vpop (xrf0)  }
0x35: {  	v12 =	vsel vm1, $0xFF800000, v9;
	(v2sf) =	vpush v7, $0xF  }
0x36: {  	(xrf0) =	vmax.scan.msk.f32 $0xffff, v12;
	v10 =	vnsel vm3, $0x80000010, v1;
	v8 =	vbroadcast v8, $0xF  }
0x37: {  	(xrf0) =	vmin.scan.msk.u32 $0xffff, v10  }
0x38: {  	vm3 =	veq.f32 v4, v8  }
0x39: {  	(xrf0) =	vmax.scan.msk.f32 $0xffff, v5;
	v7 =	vnsel vm3, $0x80000010, v1  }
0x3a: {  	(xrf0) =	vmin.scan.msk.u32 $0xffff, v7;
	_ =	sdelay $0x1  }
0x3b: {  	s19 =	spop (v2sf);
	v7, _, _ =	vpop (xrf0)  }
0x3c: {  	s21 =	sxor.u32 $0x80000000, s19;
	s19 =	simm.s32 $0x60;
	v10, _, _ =	vpop (xrf0)  }
0x3d: {  	v14 =	vmov s21;
	v17 =	vbroadcast v7, $0xF;
	v7 =	vld [tilespmem:s19+$0x0];
	(v2sf) =	vpush v10, $0xF  }
0x3e: {  	vm3 =	veq.s32 v14, v0;
	v10, _, _ =	vpop (xrf0)  }
0x3f: {  	v14 =	vsel vm3, $0xFF800000, v6;
	vm4 =	veq.f32 v12, v17;
	v10 =	vbroadcast v10, $0xF;
	v12, _, _ =	vpop (xrf0)  }
0x40: {  	(xrf0) =	vmax.scan.msk.f32 $0xffff, v14;
	v17 =	vnsel vm4, $0x80000010, v1;
	(v2sf) =	vpush v12, $0xF  }
0x41: {  	v2 =	vsub.f32 v2, v3;
	(xrf0) =	vmin.scan.msk.u32 $0xffff, v17;
	vm4 =	veq.f32 v5, v10  }
0x42: {  	(xrf0) =	vmax.scan.msk.f32 $0xffff, v7;
	v3 =	vnsel vm4, $0x80000010, v1  }
0x43: {  	v2 =	vmul.f32 $1.442695020e+00, v2;
	(xrf0) =	vmin.scan.msk.u32 $0xffff, v3;
	s20 =	spop (v2sf)  }
0x44: {  	s22 =	sxor.u32 $0x80000000, s20  }
0x45: {  	(erf) = vpow2.f32 v2;
	v2 =	vmov s22  }
0x46: {  	v3, _, _ =	vpop (xrf0)  }
0x47: {  	v12, _, _ =	vpop (xrf0)  }
0x48: {  	v17 =	vbroadcast v3, $0xF;
	s20 =	simm.s32 $0x70;
	(v2sf) =	vpush v12, $0xF;
	vm4 =	veq.s32 v2, v0;
	v2, _, _ =	vpop (xrf0)  }
0x49: {  	v3 =	vld [tilespmem:s20+$0x0];
	v18 =	vsel vm4, $0xFF800000, v15;
	v12, _, _ =	vpop (xrf0)  }
0x4a: {  	vm5 =	veq.f32 v14, v17;
	(xrf0) =	vmax.scan.msk.f32 $0xffff, v18;
	(v2sf) =	vpush v12, $0xF  }
0x4b: {  	vm2 =	vmmov vm2;
	v14 =	vnsel vm5, $0x80000010, v1  }
0x4c: {  	vm2 =	vmmov vm2;
	(xrf0) =	vmin.scan.msk.u32 $0xffff, v14;
	s24 =	spop (v2sf);
	v12 =	vbroadcast v2, $0xF  }
0x4d: {  	vm2 =	vmmov vm2;
	v2 =	vsub.f32 v9, v11;
	s24 =	sxor.u32 $0x80000000, s24  }
0x4e: {  	vm2 =	vmmov vm2;
	(xrf0) =	vmax.scan.msk.f32 $0xffff, v3;
	v9 =	vmov s24;
	vm5 =	veq.f32 v7, v12  }
0x4f: {  	v11 =	vpop (erf);
	v2 =	vmul.f32 $1.442695020e+00, v2;
	vm6 =	veq.s32 v9, v0;
	v14 =	vnsel vm5, $0x80000010, v1;
	s31 =	spop (v2sf)  }
0x50: {  	v9 =	vsel vm0, s23, v9;
	vm2 =	vmor vm2, vm6;
	s24 =	sxor.u32 $0x80000000, s31;
	v17, _, _ =	vpop (xrf0);
	(xrf0) =	vmin.scan.msk.u32 $0xffff, v14  }
0x51: {  	s23 =	simm.s32 $0x80;
	(erf) = vpow2.f32 v2;
	[tilespmem:s15+$0x4000] =	vst v9;
	v2 =	vnsel vm2, $0x0, v11;
	v11 =	vmov s24  }
0x52: {  	v9 =	vld [tilespmem:s23+$0x0];
	v14, _, _ =	vpop (xrf0);
	vm2 =	veq.s32 v11, v0;
	v11 =	vbroadcast v17, $0xF  }
0x53: {  	(xrf2) =	vadd.scan.msk.f32 $0xffff, v2;
	(v2sf) =	vpush v14, $0xF;
	v14 =	vsel vm2, $0xFF800000, v4  }
0x54: {  	v17, _, _ =	vpop (xrf0);
	vm5 =	veq.f32 v18, v11;
	(xrf0) =	vmax.scan.msk.f32 $0xffff, v14  }
0x55: {  	v11 =	vbroadcast v17, $0xF;
	v17 =	vnsel vm5, $0x80000010, v1  }
0x56: {  	(xrf0) =	vmin.scan.msk.u32 $0xffff, v17;
	v18, _, _ =	vpop (xrf0)  }
0x57: {  	vm1 =	vmmov vm1;
	vm5 =	veq.f32 v3, v11;
	s25 =	spop (v2sf);
	(xrf0) =	vmax.scan.msk.f32 $0xffff, v9;
	(v2sf) =	vpush v18, $0xF  }
0x58: {  	vm1 =	vmmov vm1;
	v6 =	vsub.f32 v6, v13;
	v13 =	vnsel vm5, $0x80000010, v1;
	s25 =	sxor.u32 $0x80000000, s25  }
0x59: {  	vm1 =	vmmov vm1;
	vm3 =	vmmov vm3;
	(xrf0) =	vmin.scan.msk.u32 $0xffff, v13;
	v13 =	vmov s25;
	s28 =	spop (v2sf)  }
0x5a: {  	vm3 =	vmmov vm3;
	vm5 =	veq.s32 v13, v0;
	v13 =	vsel vm0, s26, v13;
	v18, _, _ =	vpop (xrf0);
	s25 =	sxor.u32 $0x80000000, s28  }
0x5b: {  	v6 =	vmul.f32 $1.442695020e+00, v6;
	v17 =	vpop (erf);
	v18 =	vbroadcast v18, $0xF;
	v19 =	vmov s25  }
0x5c: {  	vm1 =	vmmov vm1;
	vm3 =	vmmov vm3;
	v20, _, _ =	vpop (xrf0)  }
0x5d: {  	vm3 =	vmmov vm3;
	(erf) = vpow2.f32 v6;
	vm1 =	vmor vm1, vm5;
	[tilespmem:s13+$0x4000] =	vst v13;
	v13, _, _ =	vpop (xrf0)  }
0x5e: {  	s26 =	simm.s32 $0x90;
	v6 =	vnsel vm1, $0x0, v17;
	vm1 =	veq.f32 v14, v18;
	vm6 =	veq.s32 v19, v0;
	v19, _, _ =	vpop (xrf2)  }
0x5f: {  	(v2sf) =	vpush v20, $0xF;
	v14 =	vbroadcast v13, $0xF;
	v13 =	vld [tilespmem:s26+$0x0];
	v18, _, _ =	vpop (xrf0);
	(xrf2) =	vadd.scan.msk.f32 $0xffff, v6;
	v19 =	vbroadcast v19, $0xF  }
0x60: {  	vm4 =	vmmov vm4;
	v17 =	vsel vm6, $0xFF800000, v5;
	(v2sf) =	vpush v18, $0xF  }
0x61: {  	vm2 =	vmmov vm2;
	v63 =	vnsel vm1, $0x80000010, v1;
	(xrf0) =	vmax.scan.msk.f32 $0xffff, v17;
	(erf) = vrcp.f32 v19  }
0x62: {  	v15 =	vsub.f32 v15, v16;
	vm4 =	vmmov vm4;
	vm2 =	vmmov vm2;
	(xrf0) =	vmin.scan.msk.u32 $0xffff, v63  }
0x63: {  	vm5 =	vmmov vm4;
	s28 =	simm.s32 $0x280;
	vm1 =	vmmov vm6;
	vm4 =	veq.f32 v9, v14;
	s30 =	spop (v2sf)  }
.LBB2_2:
0x64: {  	p0 =	sne.s32 s28, $0x7FC0;
	(xrf0) =	vmax.scan.msk.f32 $0xffff, v13;
	v20 =	vnsel vm4, $0x80000010, v1;
	s30 =	sxor.u32 $0x80000000, s30;
	v18 =	vmovc v3;
	v3 =	vmov v9;
	v9 =	vmov v13  }
0x65: {  	v19 =	vmovc v8;
	v8 =	vmovc v10;
	v10 =	vmov v12;
	v12 =	vmov v11;
	v11 =	vmov v14;
	s29 =	smov.u32 s20;
	s20 =	smov.u32 s23;
	s23 =	smov.u32 s26  }
0x66: {  	(xrf0) =	vmin.scan.msk.u32 $0xffff, v20;
	s26 =	spop (v2sf);
	v22 =	vmul.f32 $1.442695020e+00, v15;
	v14 =	vmov s30;
	v15 =	vpop (erf)  }
0x67: {  	s26 =	sxor.u32 $0x80000000, s26;
	v16, _, _ =	vpop (xrf0);
	vm4 =	veq.s32 v14, v0;
	v14 =	vsel vm0, s21, v14;
	s21 =	smov.u32 s22;
	s22 =	smov.u32 s24  }
0x68: {  	s24 =	smov.u32 s25;
	v20 =	vmov s26;
	v21, _, _ =	vpop (xrf0);
	(erf) = vpow2.f32 v22;
	vm3 =	vmor vm3, vm4;
	[tilespmem:s14+$0x4000] =	vst v14;
	s25 =	smov.u32 s26  }
0x69: {  	v14 =	vbroadcast v16, $0xF;
	vm4 =	veq.s32 v20, v0;
	v15 =	vnsel vm3, $0x0, v15;
	v13, _, _ =	vpop (xrf2)  }
0x6a: {  	s26 =	sshra.s32 s28, $0x2;
	vm3 =	vmmov vm5;
	v16 =	vsel vm4, $0xFF800000, v7;
	(xrf2) =	vadd.scan.msk.f32 $0xffff, v15;
	v20 =	vbroadcast v13, $0xF;
	v22 =	vpop (erf)  }
.Ltmp0:
0x6b: {  	vm5 =	veq.f32 v17, v14;
	v13 =	vld [tilespmem:s26+$0x0];
	v23, _, _ =	vpop (xrf0);
	(v2sf) =	vpush v21, $0xF;
	v24 =	vmul.f32 v22, v2;
	(pc) =	sbr.rel @p0 .LBB2_2-.Ltmp0, $4  }
0x6c: {  	v22 =	vnsel vm5, $0x80000010, v1;
	v2 =	vmov v6;
	v21, _, _ =	vpop (xrf0);
	(xrf0) =	vmax.scan.msk.f32 $0xffff, v16;
	(erf) = vrcp.f32 v20  }
0x6d: {  	v6 =	vmovc v15;
	v14 =	vbroadcast v23, $0xF;
	(v2sf) =	vpush v21, $0xF;
	(xrf0) =	vmin.scan.msk.u32 $0xffff, v22;
	[tilespmem:s15+$0x2000] =	vst v24;
	s15 =	smov.u32 s13;
	s13 =	smov.u32 s14;
	s14 =	smov.u32 s16  }
0x6e: {  	v17 =	vmovc v16;
	vm5 =	vmmov vm2;
	vm2 =	vmmov vm1;
	vm1 =	vmmov vm4;
	s16 =	smov.u32 s17;
	s17 =	smov.u32 s18;
	s18 =	smov.u32 s19  }
0x6f: {  	s28 =	sadd.s32 $0x40, s28;
	v15 =	vsub.f32 v4, v19;
	v4 =	vmovc v5;
	v5 =	vmovc v7;
	v7 =	vmov v18;
	s19 =	smov.u32 s29;
	vm4 =	veq.f32 v9, v14;
	s30 =	spop (v2sf)  }
0x70: {  	(xrf0) =	vmax.scan.msk.f32 $0xffff, v13;
	_ =	sdelay $0x3  }
0x71: {  	s28 =	spop (v2sf);
	v16, _, _ =	vpop (xrf0)  }
0x72: {  	s28 =	sxor.u32 $0x80000000, s28;
	v18, _, _ =	vpop (xrf0)  }
0x73: {  	v19 =	vmov s28;
	v16 =	vbroadcast v16, $0xF;
	v20, _, _ =	vpop (xrf0)  }
0x74: {  	v21 =	vnsel vm4, $0x80000010, v1;
	vm6 =	veq.s32 v19, v0;
	v20 =	vbroadcast v20, $0xF  }
0x75: {  	(xrf0) =	vmin.scan.msk.u32 $0xffff, v21;
	v19 =	vsel vm6, $0xFF800000, v7;
	vm13 =	veq.f32 v17, v16  }
0x76: {  	(xrf0) =	vmax.scan.msk.f32 $0xffff, v19;
	v16 =	vnsel vm13, $0x80000010, v1;
	vm14 =	veq.f32 v13, v20  }
0x77: {  	(xrf0) =	vmin.scan.msk.u32 $0xffff, v16;
	v38 =	vnsel vm14, $0x80000010, v1  }
0x78: {  	(xrf0) =	vmin.scan.msk.u32 $0xffff, v38;
	_ =	sdelay $0x2  }
0x79: {  	v15 =	vmul.f32 $1.442695020e+00, v15;
	v39, _, _ =	vpop (xrf0)  }
0x7a: {  	(v2sf) =	vpush v18, $0xF;
	v40, _, _ =	vpop (xrf0)  }
0x7b: {  	(erf) = vpow2.f32 v15;
	(v2sf) =	vpush v39, $0xF;
	v41, _, _ =	vpop (xrf0)  }
0x7c: {  	s31 =	spop (v2sf);
	(v2sf) =	vpush v41, $0xF;
	v42, _, _ =	vpop (xrf0)  }
0x7d: {  	s30 =	sxor.u32 $0x80000000, s30;
	s29 =	spop (v2sf);
	(v2sf) =	vpush v42, $0xF  }
0x7e: {  	v17 =	vmov s30;
	s29 =	sxor.u32 $0x80000000, s29  }
0x7f: {  	vm7 =	veq.s32 v17, v0;
	v16 =	vbroadcast v40, $0xF;
	v43 =	vmov s29  }
0x80: {  	v44 =	vpop (erf);
	vm3 =	vmor vm3, vm7;
	vm15 =	veq.s32 v43, v0  }
0x81: {  	v15 =	vnsel vm3, $0x0, v44;
	s0 =	sxor.u32 $0x80000000, s31;
	vm3 =	veq.f32 v19, v16;
	v45 =	vsel vm15, $0xFF800000, v3  }
0x82: {  	v18 =	vmov s0;
	v16 =	vnsel vm3, $0x80000010, v1;
	(xrf0) =	vmax.scan.msk.f32 $0xffff, v45  }
0x83: {  	vm5 =	vmmov vm5;
	vm9 =	veq.s32 v18, v0;
	v19 =	vpop (erf);
	(xrf0) =	vmin.scan.msk.u32 $0xffff, v16  }
0x84: {  	(xrf2) =	vadd.scan.msk.f32 $0xffff, v15;
	v22 =	vpop (erf);
	vm3 =	vmor vm5, vm9  }
0x85: {  	v16 =	vnsel vm3, $0x0, v22  }
0x86: {  	(xrf2) =	vadd.scan.msk.f32 $0xffff, v16  }
0x87: {  	v49, _, _ =	vpop (xrf2)  }
0x88: {  	v46, _, _ =	vpop (xrf0)  }
0x89: {  	v4 =	vsub.f32 v4, v8;
	v51 =	vbroadcast v49, $0xF;
	s0 =	spop (v2sf);
	v47, _, _ =	vpop (xrf0)  }
0x8a: {  	s1 =	spop (v2sf);
	(v2sf) =	vpush v47, $0xF  }
0x8b: {  	v4 =	vmul.f32 $1.442695020e+00, v4;
	(erf) = vrcp.f32 v51;
	s30 =	sxor.u32 $0x80000000, s1;
	s1 =	spop (v2sf)  }
0x8c: {  	v22 =	vbroadcast v46, $0xF;
	v23 =	vmov s30;
	s8 =	spop (v2sf)  }
0x8d: {  	v5 =	vsub.f32 v5, v10;
	(erf) = vpow2.f32 v4;
	vm3 =	veq.s32 v23, v0;
	s31 =	sxor.u32 $0x80000000, s8  }
0x8e: {  	v53, _, _ =	vpop (xrf2);
	vm10 =	veq.f32 v45, v22;
	v24 =	vsel vm3, $0xFF800000, v9;
	v48 =	vmov s31  }
0x8f: {  	v54 =	vbroadcast v53, $0xF;
	v50 =	vnsel vm10, $0x80000010, v1;
	(xrf0) =	vmax.scan.msk.f32 $0xffff, v24;
	vm11 =	veq.s32 v48, v0  }
0x90: {  	v57 =	vsub.f32 v7, v12;
	v55 =	vmul.f32 $1.442695020e+00, v5;
	v56, _, _ =	vpop (xrf2);
	(xrf0) =	vmin.scan.msk.u32 $0xffff, v50;
	v52 =	vsel vm11, $0xFF800000, v13  }
0x91: {  	(erf) = vrcp.f32 v54;
	v5 =	vbroadcast v56, $0xF;
	(xrf0) =	vmax.scan.msk.f32 $0xffff, v52  }
0x92: {  	v58 =	vmul.f32 $1.442695020e+00, v57;
	(erf) = vpow2.f32 v55  }
0x93: {  	(erf) = vrcp.f32 v5  }
0x94: {  	vm2 =	vmmov vm2;
	vm1 =	vmmov vm1;
	v28 =	vpop (erf);
	(erf) = vpow2.f32 v58  }
0x95: {  	vm2 =	vmmov vm2;
	vm1 =	vmmov vm1;
	s0 =	sxor.u32 $0x80000000, s0;
	v59, _, _ =	vpop (xrf0)  }
0x96: {  	vm1 =	vmmov vm1;
	vm6 =	vmmov vm6;
	v63 =	vmov s0;
	v60, _, _ =	vpop (xrf0)  }
0x97: {  	vm6 =	vmmov vm6;
	vm14 =	veq.s32 v63, v0;
	s8 =	sxor.u32 $0x80000000, s1;
	v61 =	vbroadcast v59, $0xF;
	v62, _, _ =	vpop (xrf0)  }
0x98: {  	vm2 =	vmor vm2, vm14;
	v29 =	vpop (erf);
	v31 =	vmov s8;
	v7 =	vbroadcast v62, $0xF  }
0x99: {  	v10 =	vnsel vm2, $0x0, v29;
	vm2 =	veq.s32 v31, v0;
	vm12 =	veq.f32 v24, v61;
	s1 =	spop (v2sf)  }
0x9a: {  	(xrf2) =	vadd.scan.msk.f32 $0xffff, v10;
	v30 =	vpop (erf);
	vm1 =	vmor vm1, vm2;
	v27 =	vnsel vm12, $0x80000010, v1;
	s0 =	sxor.u32 $0x80000000, s1;
	vm13 =	veq.f32 v52, v7  }
0x9b: {  	v32 =	vpop (erf);
	vm2 =	vmmov vm6;
	(xrf0) =	vmin.scan.msk.u32 $0xffff, v27;
	v34 =	vmov s0;
	v8 =	vnsel vm13, $0x80000010, v1  }
0x9c: {  	v21 =	vnsel vm1, $0x0, v32;
	vm1 =	vmmov vm2;
	v33 =	vpop (erf);
	vm2 =	veq.s32 v34, v0;
	(xrf0) =	vmin.scan.msk.u32 $0xffff, v8  }
0x9d: {  	(xrf2) =	vadd.scan.msk.f32 $0xffff, v21;
	v35 =	vpop (erf);
	vm1 =	vmor vm1, vm2  }
0x9e: {  	v24 =	vnsel vm1, $0x0, v35  }
0x9f: {  	(v2sf) =	vpush v60, $0xF;
	(xrf2) =	vadd.scan.msk.f32 $0xffff, v24;
	_ =	sdelay $0x1  }
0xa0: {  	v36, _, _ =	vpop (xrf0)  }
0xa1: {  	(v2sf) =	vpush v36, $0xF;
	v37, _, _ =	vpop (xrf0)  }
0xa2: {  	(v2sf) =	vpush v37, $0xF;
	_ =	sdelay $0x1  }
0xa3: {  	v3 =	vsub.f32 v3, v11;
	v38, _, _ =	vpop (xrf2)  }
0xa4: {  	v5 =	vbroadcast v38, $0xF  }
0xa5: {  	v40 =	vsub.f32 v9, v14;
	v3 =	vmul.f32 $1.442695020e+00, v3;
	v39, _, _ =	vpop (xrf2)  }
0xa6: {  	(erf) = vrcp.f32 v5;
	v41 =	vbroadcast v39, $0xF  }
0xa7: {  	v43 =	vsub.f32 v13, v20;
	(erf) = vpow2.f32 v3;
	v3 =	vmul.f32 $1.442695020e+00, v40;
	v42, _, _ =	vpop (xrf2)  }
0xa8: {  	(erf) = vrcp.f32 v41;
	v44 =	vbroadcast v42, $0xF  }
0xa9: {  	(erf) = vpow2.f32 v3;
	v3 =	vmul.f32 $1.442695020e+00, v43  }
0xaa: {  	(erf) = vrcp.f32 v44  }
0xab: {  	(erf) = vpow2.f32 v3  }
0xac: {  	vm1 =	vmmov vm15;
	s8 =	spop (v2sf)  }
0xad: {  	vm2 =	vmmov vm3;
	vm1 =	vmmov vm1;
	s0 =	sxor.u32 $0x80000000, s8  }
0xae: {  	vm2 =	vmmov vm2;
	vm1 =	vmmov vm1;
	v3 =	vmov s0  }
0xaf: {  	vm15 =	vmmov vm11;
	v47 =	vpop (erf);
	vm1 =	vmmov vm1;
	vm3 =	veq.s32 v3, v0;
	s1 =	spop (v2sf)  }
0xb0: {  	vm2 =	vmmov vm2;
	v48 =	vpop (erf);
	vm1 =	vmor vm1, vm3;
	vm3 =	vmmov vm15;
	s1 =	sxor.u32 $0x80000000, s1;
	s8 =	spop (v2sf)  }
0xb1: {  	v49 =	vpop (erf);
	v13 =	vnsel vm1, $0x0, v48;
	vm1 =	vmmov vm2;
	v45 =	vmov s1;
	s8 =	sxor.u32 $0x80000000, s8  }
0xb2: {  	v50 =	vpop (erf);
	vm2 =	vmmov vm3;
	vm3 =	veq.s32 v45, v0;
	v46 =	vmov s8  }
0xb3: {  	vm2 =	vmmov vm2;
	vm1 =	vmor vm1, vm3;
	v25 =	vpop (erf);
	vm3 =	veq.s32 v46, v0  }
0xb4: {  	(xrf2) =	vadd.scan.msk.f32 $0xffff, v13;
	v20 =	vnsel vm1, $0x0, v50;
	v26 =	vpop (erf);
	vm1 =	vmor vm2, vm3  }
0xb5: {  	(xrf2) =	vadd.scan.msk.f32 $0xffff, v20;
	v26 =	vnsel vm1, $0x0, v26  }
0xb6: {  	(xrf2) =	vadd.scan.msk.f32 $0xffff, v26;
	_ =	sdelay $0x6  }
0xb7: {  	v17 =	vsel vm0, s21, v17;
	v2 =	vmul.f32 v19, v2  }
0xb8: {  	[tilespmem:s14+$0x4000] =	vst v17;
	v51, _, _ =	vpop (xrf2)  }
0xb9: {  	[tilespmem:s15+$0x2000] =	vst v2;
	v2 =	vmul.f32 v28, v6;
	v53 =	vsel vm0, s22, v18;
	v54 =	vbroadcast v51, $0xF;
	v52, _, _ =	vpop (xrf2)  }
0xba: {  	[tilespmem:s16+$0x4000] =	vst v53;
	v55 =	vmul.f32 v30, v15;
	v56 =	vbroadcast v52, $0xF;
	v57, _, _ =	vpop (xrf2)  }
0xbb: {  	[tilespmem:s13+$0x2000] =	vst v2;
	v2 =	vsel vm0, s24, v63;
	(erf) = vrcp.f32 v54;
	v58 =	vbroadcast v57, $0xF  }
0xbc: {  	[tilespmem:s17+$0x4000] =	vst v2;
	(erf) = vrcp.f32 v56  }
0xbd: {  	[tilespmem:s14+$0x2000] =	vst v55;
	v2 =	vsel vm0, s25, v31;
	v59 =	vmul.f32 v33, v16;
	(erf) = vrcp.f32 v58  }
0xbe: {  	[tilespmem:s18+$0x4000] =	vst v2  }
0xbf: {  	v2 =	vsel vm0, s28, v34;
	[tilespmem:s16+$0x2000] =	vst v59;
	v60 =	vmul.f32 v47, v10  }
0xc0: {  	[tilespmem:s19+$0x4000] =	vst v2  }
0xc1: {  	[tilespmem:s17+$0x2000] =	vst v60;
	v2 =	vsel vm0, s29, v3;
	v3 =	vmul.f32 v49, v21  }
0xc2: {  	[tilespmem:s20+$0x4000] =	vst v2  }
0xc3: {  	[tilespmem:s18+$0x2000] =	vst v3;
	v2 =	vsel vm0, s30, v45;
	v3 =	vmul.f32 v25, v24  }
0xc4: {  	[tilespmem:s23+$0x4000] =	vst v2;
	v61 =	vpop (erf)  }
0xc5: {  	[tilespmem:s19+$0x2000] =	vst v3;
	v2 =	vsel vm0, s31, v46;
	v3 =	vmul.f32 v61, v13;
	v62 =	vpop (erf)  }
0xc6: {  	[tilespmem:s26+$0x4000] =	vst v2;
	v2 =	vmul.f32 v62, v20;
	v63 =	vpop (erf)  }
0xc7: {  	[tilespmem:s20+$0x2000] =	vst v3;
	v3 =	vmul.f32 v63, v26  }
0xc8: {  	[tilespmem:s23+$0x2000] =	vst v2  }
0xc9: {  	s31 =	simm.s32 $0x2000;
	[tilespmem:s26+$0x2000] =	vst v3  }
0xca: {  	[hbm4b:s4+s2] =	stream.linear.scatter [tilespmem:s31], [sflag:$0x2], $0x2000, $0x38;
	[tilespmem:$0x6000] =	vst v63  }
0xcb: {  	s12 =	sadd.s32 $0x1, s12  }
0xcc: {  	[hbm4b:s5+s2] =	stream.linear.scatter [tilespmem:s9], [sflag:$0x3], $0x2000, $0x38;
	[tilespmem:$0x6000] =	vst v63  }
0xcd: {  	p0 =	sne.s32 s12, s6;
	_ =	swait.ge [sflag:s10], $0x2000  }
.Ltmp1:
0xce: {  	[sflag:s10] =	ssyncset.done $0x0;
	(pc) =	sbr.rel @p0 .LBB2_1-.Ltmp1, $4  }
0xcf: {  	[sflag:s10] =	ssyncadd.s32 $0xFFFFE000  }
0xd0: {  	_ =	swait.ge [sflag:s11], $0x2000  }
0xd1: {  	[sflag:s11] =	ssyncset.done $0x0  }
0xd2: {  	[sflag:s11] =	ssyncadd.s32 $0xFFFFE000  }
0xd3: {  	_ =	sfence.sel $0x180000  }
0xd4: {  	[bflag:$0x0] =	sbarrier.arrive $0xFFFF  }
0xd5: {  	_ =	strace $0x90000047  }
0xd6: {  	s0 =	stileid.u32;
	[bflag:$0x2] =	sbarrier.arrive $0xFFFF  }
0xd7: {  	p0 =	sne.s32 s0, $0x0;
	s0 =	rddreg [dreg:$0x2]  }
0xd8: {  	s0 =	sadd.s32 @!p0 $0x100000, s0  }
0xd9: {  	[sflag:s0] =	ssyncadd.tile.s32 @!p0 $0x1;
	_ =	shalt  }
.Lfunc_end2:
_tile_overlayer_lowered:
.L_overlay_start_2:
0xda: {  	(tag) =	ssettag $0x2  }
0xdb: {  	s0 =	rddreg [dreg:$0x0];
	s2 =	stileid.u32  }
0xdc: {  	s1 =	rddreg [dreg:$0x1];
	p0 =	sne.s32 s2, $0x0  }
0xdd: {  	s3 =	rddreg [dreg:$0x2];
	[bflag:$0x3] =	sbarrier.arrive $0xFFFF;
	s2 =	simm.s32 @!p0 $0x1C04  }
0xde: {  	[timem:s3], [sflag:s2] =	dma.local @!p0 [hbm:s0], s1  }
0xdf: {  	s0 =	simm.s32 @!p0 $0x4  }
0xe0: {  	_ =	swait.ge @!p0 [sflag:s0], s1  }
0xe1: {  	s1 =	ssub.s32 @!p0 $0x0, s1;
	[sflag:s0] =	ssyncset.done @!p0 $0x0  }
0xe2: {  	[sflag:s0] =	ssyncadd.s32 @!p0 s1  }
0xe3: {  	[bflag:$0x3] =	sbarrier.arrive $0xFFFF  }
0xe4: {  	_ =	shalt  }

</sc_bundles>
